<compile_context>
chip_gen: v7x
topology: tpu7x:2x2x1
jax: 0.10.2.dev20260603
libtpu: 0.0.44.dev20260713+nightly
codegen_flags: <defaults>
</compile_context>

<pallas_src>
import dataclasses

import jax
import jax.numpy as jnp
from jax import lax
from jax.experimental import pallas as pl
from jax.experimental.pallas import tpu as pltpu
from jax.experimental.pallas import tpu_sc as plsc

_B = 32
_N = 21824
_NB = 7296
_GRID = -(-_N // _NB)
_LANES = 16
_UNROLL = 4
_NVREG = _N // _LANES


def _conf_body(cp_ref, y_ref, m_ref, stats_ref):
    pid = pl.program_id(0)

    y = y_ref[...]
    pos = y > 0
    x0 = cp_ref[0:32]
    x1 = cp_ref[32:64]
    mx = jnp.maximum(x0, x1)
    mn = jnp.minimum(x0, x1)
    lse = mx + jnp.log(1.0 + jnp.exp(mn - mx))
    ce = lse - jnp.where(pos, x1, x0)

    col = lax.broadcasted_iota(jnp.int32, ce.shape, 1) + pid * _NB
    valid = col < _N
    m_ref[...] = jnp.where(valid & (~pos), jnp.maximum(ce, 0.0), 0.0)

    posm = valid & pos
    npos_r = jnp.sum(jnp.where(posm, 1.0, 0.0), axis=1, keepdims=True)
    ce_r = jnp.sum(jnp.where(posm, ce, 0.0), axis=1, keepdims=True)

    lane = lax.broadcasted_iota(jnp.int32, (32, 128), 1)
    upd = jnp.where(lane == 0, npos_r, 0.0) + jnp.where(lane == 1, ce_r, 0.0)

    @pl.when(pid == 0)
    def _():
        stats_ref[...] = jnp.zeros_like(stats_ref)

    stats_ref[...] += upd


def _loc_body(d_ref, y_ref, stats_ref):
    pid = pl.program_id(0)

    d = d_ref[...]
    ad = jnp.abs(d)
    sl1 = jnp.where(ad < 1.0, 0.5 * d * d, ad - 0.5)
    s4 = sl1[0:32] + sl1[32:64] + sl1[64:96] + sl1[96:128]

    col = lax.broadcasted_iota(jnp.int32, s4.shape, 1) + pid * _NB
    posm = (col < _N) & (y_ref[...] > 0)
    loc_r = jnp.sum(jnp.where(posm, s4, 0.0), axis=1, keepdims=True)

    lane = lax.broadcasted_iota(jnp.int32, (32, 128), 1)
    upd = jnp.where(lane == 0, loc_r, 0.0)

    @pl.when(pid == 0)
    def _():
        stats_ref[...] = jnp.zeros_like(stats_ref)

    stats_ref[...] += upd


def _sc_topk_body(m_hbm, kk_hbm, out_hbm, row_v, k_v, out_v):
    wid = lax.axis_index("s") * 2 + lax.axis_index("c")
    pltpu.sync_copy(m_hbm.at[wid], row_v)
    pltpu.sync_copy(kk_hbm.at[wid], k_v)
    k = jnp.max(k_v[...])

    s0 = jnp.zeros((_LANES,), jnp.float32)
    c0 = jnp.zeros((_LANES,), jnp.int32)

    def pass_a(i, carry):
        s, c = carry
        for u in range(_UNROLL):
            v = row_v[pl.ds((i * _UNROLL + u) * _LANES, _LANES)]
            s = s + v
            c = c + (v > 0.0).astype(jnp.int32)
        return s, c

    svec, cvec = lax.fori_loop(0, _NVREG // _UNROLL, pass_a, (s0, c0))
    sum0 = jnp.sum(svec)
    count0 = jnp.sum(cvec)

    def fast(_):
        return sum0

    def slow(_):
        def bis(_, lohi):
            lo, hi = lohi
            mid = lo + (hi - lo + 1) // 2

            def cb(i, c):
                key = plsc.bitcast(row_v[pl.ds(i * _LANES, _LANES)], jnp.int32)
                return c + (key >= mid).astype(jnp.int32)

            cnt = jnp.sum(lax.fori_loop(0, _NVREG, cb, c0))
            take = cnt >= k
            return (jnp.where(take, mid, lo), jnp.where(take, hi, mid - 1))

        tkey, _hi = lax.fori_loop(0, 31, bis, (jnp.int32(0),
                                               jnp.int32(0x7F800000)))
        tval = jnp.max(plsc.bitcast(jnp.full((_LANES,), tkey, jnp.int32),
                                    jnp.float32))

        def fb(i, carry):
            sg, cg = carry
            v = row_v[pl.ds(i * _LANES, _LANES)]
            gt = plsc.bitcast(v, jnp.int32) > tkey
            return (sg + jnp.where(gt, v, 0.0), cg + gt.astype(jnp.int32))

        sgv, cgv = lax.fori_loop(0, _NVREG, fb, (s0, c0))
        sum_gt = jnp.sum(sgv)
        cnt_gt = jnp.sum(cgv)
        return sum_gt + (k - cnt_gt).astype(jnp.float32) * tval

    res = lax.cond(k >= count0, fast, slow, None)
    out_v[...] = jnp.full((_LANES,), res, jnp.float32)
    pltpu.sync_copy(out_v, out_hbm.at[wid])


def _conf_stage(cp_t, y):
    return pl.pallas_call(
        _conf_body,
        grid=(_GRID,),
        in_specs=[
            pl.BlockSpec((64, _NB), lambda i: (0, i)),
            pl.BlockSpec((32, _NB), lambda i: (0, i)),
        ],
        out_specs=[
            pl.BlockSpec((32, _NB), lambda i: (0, i)),
            pl.BlockSpec((32, 128), lambda i: (0, 0)),
        ],
        out_shape=[
            jax.ShapeDtypeStruct((_B, _N), jnp.float32),
            jax.ShapeDtypeStruct((_B, 128), jnp.float32),
        ],
    )(cp_t, y)


def _loc_stage(d_t, y):
    return pl.pallas_call(
        _loc_body,
        grid=(_GRID,),
        in_specs=[
            pl.BlockSpec((128, _NB), lambda i: (0, i)),
            pl.BlockSpec((32, _NB), lambda i: (0, i)),
        ],
        out_specs=pl.BlockSpec((32, 128), lambda i: (0, 0)),
        out_shape=jax.ShapeDtypeStruct((_B, 128), jnp.float32),
    )(d_t, y)


def _sc_stage(m, kk):
    mesh = plsc.VectorSubcoreMesh(core_axis_name="c", subcore_axis_name="s")
    cp = pltpu.CompilerParams()
    if "needs_layout_passes" in pltpu.CompilerParams.__dataclass_fields__:
        cp = dataclasses.replace(cp, needs_layout_passes=False)
    fn = pl.kernel(
        _sc_topk_body,
        out_type=jax.ShapeDtypeStruct((_B, _LANES), jnp.float32),
        mesh=mesh,
        compiler_params=cp,
        scratch_types=[
            pltpu.VMEM((_N,), jnp.float32),
            pltpu.VMEM((_LANES,), jnp.int32),
            pltpu.VMEM((_LANES,), jnp.float32),
        ],
    )
    return fn(m, kk)


def kernel(loc_preds, loc_targets, conf_preds, conf_targets):
    B, N = conf_targets.shape

    cp_t = jnp.transpose(conf_preds, (2, 0, 1)).reshape(2 * B, N)
    d_t = jnp.transpose(loc_preds - loc_targets, (2, 0, 1)).reshape(4 * B, N)
    y = conf_targets.astype(jnp.int32)

    m, stats_c = _conf_stage(cp_t, y)

    num_pos = stats_c[:, 0]
    pos_ce = stats_c[:, 1]
    num_matched = jnp.sum(num_pos)
    k = jnp.minimum(3 * num_pos.astype(jnp.int32), N - 1)
    kk = jnp.broadcast_to(k[:, None], (B, _LANES))

    stats_l = _loc_stage(d_t, y)
    topk = _sc_stage(m, kk)

    return (jnp.sum(stats_l[:, 0]) + jnp.sum(pos_ce)
            + jnp.sum(topk[:, 0])) / num_matched

# --- scband reference (transcript-rebuilt; emitter-appended) ---
"""Pipeline reference for scband-multi-box-loss-89816356094037 (READ-ONLY COPY).

The authoritative reference and input builder live on the scoring server;
editing this copy changes nothing except your own understanding.
"""

import jax, jax.numpy as jnp
import numpy as np

NUM_CLASSES = 2


def setup_inputs(seed: int = 0) -> dict:
    key = jax.random.key(seed)
    k1, k2, k3, k4 = jax.random.split(key, 4)
    B, N = 32, 21824
    loc_preds = jax.random.normal(k1, (B, N, 4), dtype=jnp.float32)
    loc_targets = jax.random.normal(k2, (B, N, 4), dtype=jnp.float32)
    conf_preds = jax.random.normal(k3, (B, N, NUM_CLASSES), dtype=jnp.float32)
    conf_targets = jax.random.randint(k4, (B, N), 0, 2, dtype=jnp.int32)
    return {"loc_preds": loc_preds, "loc_targets": loc_targets, "conf_preds": conf_preds, "conf_targets": conf_targets}


def reference(loc_preds, loc_targets, conf_preds, conf_targets):
    B, N = conf_targets.shape
    pos = conf_targets > 0                                    # [B, N] bool
    num_pos = pos.sum(axis=1, keepdims=True)                  # [B, 1]
    num_matched = pos.sum().astype(jnp.float32)               # scalar

    # --- localization loss: smooth_l1 (mean over positive elements) * 4.0 ---
    diff = loc_preds - loc_targets
    ad = jnp.abs(diff)
    sl1 = jnp.where(ad < 1.0, 0.5 * diff * diff, ad - 0.5)    # [B, N, 4]
    pos_mask1 = pos[:, :, None].astype(loc_preds.dtype)
    loc_loss = jnp.sum(sl1 * pos_mask1) / (num_matched * 4.0) * 4.0

    # --- hard negative mining on detached cross-entropy loss ---
    x = jax.lax.stop_gradient(conf_preds).reshape(-1, NUM_CLASSES)  # [B*N, 2]
    y = conf_targets.reshape(-1)                                    # [B*N]
    xmax = x.max()
    log_sum_exp = jnp.log(jnp.sum(jnp.exp(x - xmax), axis=1)) + xmax
    mine_loss = log_sum_exp - jnp.take_along_axis(x, y[:, None], axis=1)[:, 0]
    mine_loss = jnp.where(pos.reshape(-1), 0.0, mine_loss)          # zero positives
    mine_loss = mine_loss.reshape(B, N)
    order = jnp.argsort(-mine_loss, axis=1)                         # descending sort indices
    rank = jnp.argsort(order, axis=1)                               # rank of each box
    num_neg = jnp.minimum(3 * num_pos, N - 1)                       # [B, 1]
    neg = rank < num_neg                                            # [B, N]

    # --- classification loss over pos + neg boxes (sum / num_matched) ---
    sel = (pos | neg).reshape(-1).astype(conf_preds.dtype)          # [B*N]
    logits = conf_preds.reshape(-1, NUM_CLASSES)
    row_lse = jax.nn.logsumexp(logits, axis=1)
    ce = row_lse - jnp.take_along_axis(logits, y[:, None], axis=1)[:, 0]
    conf_loss = jnp.sum(ce * sel) / num_matched

    return loc_loss + conf_loss

if __name__ == "__main__":
    import jax
    _d = setup_inputs()
    print(jax.jit(kernel)(*tuple(_d.values())))

</pallas_src>

<mosaic_0001>
#map = affine_map<(d0, d1) -> (0, 0)>
module attributes {stable_mosaic.version = 14 : i64} {
  func.func @_sc_topk_body(%arg0: i32, %arg1: i32, %arg2: memref<32x21824xf32, #tpu.memory_space<hbm>>, %arg3: memref<32x16xi32, #tpu.memory_space<hbm>>, %arg4: memref<32x16xf32, #tpu.memory_space<hbm>>, %arg5: memref<21824xf32, #tpu.memory_space<vmem>>, %arg6: memref<16xi32, #tpu.memory_space<vmem>>, %arg7: memref<16xf32, #tpu.memory_space<vmem>>) attributes {dimension_semantics = [#tpu.dimension_semantics<core_parallel>, #tpu.dimension_semantics<subcore_parallel>], iteration_bounds = array<i64: 2, 16>, scalar_prefetch = 0 : i64, scratch_operands = 3 : i64, tpu.core_type = #tpu.core_type<sc_vector_subcore>, window_params = [{transform_indices = #map}, {transform_indices = #map}, {transform_indices = #map}]} {
    %mul3A = arith.constant 2 : i32
    %mul3A_0 = arith.muli %arg1, %mul3A : i32
    %add3A = arith.addi %mul3A_0, %arg0 : i32
    "tpu.region"() ({
      %run_scoped3A = tpu.sem_alloc : memref<!tpu.dma_semaphore, #tpu.memory_space<semaphore_mem>>
      %dma_start3A = arith.constant 0 : i32
      %dma_start3A_28 = tpu.memref_slice %arg2[%add3A, %dma_start3A] : memref<32x21824xf32, #tpu.memory_space<hbm>> -> memref<1x21824xf32, #tpu.memory_space<hbm>>
      %dma_start3A_29 = tpu.memref_squeeze %dma_start3A_28 : memref<1x21824xf32, #tpu.memory_space<hbm>> -> memref<21824xf32, #tpu.memory_space<hbm>>
      %dma_start3A_30 = arith.constant 0 : i32
      %dma_start3A_31 = tpu.memref_slice %arg2[%add3A, %dma_start3A_30] : memref<32x21824xf32, #tpu.memory_space<hbm>> -> memref<1x21824xf32, #tpu.memory_space<hbm>>
      %dma_start3A_32 = tpu.memref_squeeze %dma_start3A_31 : memref<1x21824xf32, #tpu.memory_space<hbm>> -> memref<21824xf32, #tpu.memory_space<hbm>>
      tpu.enqueue_dma source(%dma_start3A_32 : memref<21824xf32, #tpu.memory_space<hbm>>) target(%arg5 : memref<21824xf32, #tpu.memory_space<vmem>>) target_semaphore(%run_scoped3A : memref<!tpu.dma_semaphore, #tpu.memory_space<semaphore_mem>>)
      %dma_wait3A = arith.constant 0 : i32
      %dma_wait3A_33 = tpu.memref_slice %arg2[%add3A, %dma_wait3A] : memref<32x21824xf32, #tpu.memory_space<hbm>> -> memref<1x21824xf32, #tpu.memory_space<hbm>>
      %dma_wait3A_34 = tpu.memref_squeeze %dma_wait3A_33 : memref<1x21824xf32, #tpu.memory_space<hbm>> -> memref<21824xf32, #tpu.memory_space<hbm>>
      %dma_wait3A_35 = arith.constant 0 : i32
      %dma_wait3A_36 = tpu.memref_slice %arg2[%add3A, %dma_wait3A_35] : memref<32x21824xf32, #tpu.memory_space<hbm>> -> memref<1x21824xf32, #tpu.memory_space<hbm>>
      %dma_wait3A_37 = tpu.memref_squeeze %dma_wait3A_36 : memref<1x21824xf32, #tpu.memory_space<hbm>> -> memref<21824xf32, #tpu.memory_space<hbm>>
      tpu.wait_dma2 semaphore(%run_scoped3A : memref<!tpu.dma_semaphore, #tpu.memory_space<semaphore_mem>>) src(%dma_wait3A_37 : memref<21824xf32, #tpu.memory_space<hbm>>) dst(%arg5 : memref<21824xf32, #tpu.memory_space<vmem>>)
      tpu.yield
    }) : () -> ()
    "tpu.region"() ({
      %run_scoped3A = tpu.sem_alloc : memref<!tpu.dma_semaphore, #tpu.memory_space<semaphore_mem>>
      %dma_start3A = arith.constant 0 : i32
      %dma_start3A_28 = tpu.memref_slice %arg3[%add3A, %dma_start3A] : memref<32x16xi32, #tpu.memory_space<hbm>> -> memref<1x16xi32, #tpu.memory_space<hbm>>
      %dma_start3A_29 = tpu.memref_squeeze %dma_start3A_28 : memref<1x16xi32, #tpu.memory_space<hbm>> -> memref<16xi32, #tpu.memory_space<hbm>>
      %dma_start3A_30 = arith.constant 0 : i32
      %dma_start3A_31 = tpu.memref_slice %arg3[%add3A, %dma_start3A_30] : memref<32x16xi32, #tpu.memory_space<hbm>> -> memref<1x16xi32, #tpu.memory_space<hbm>>
      %dma_start3A_32 = tpu.memref_squeeze %dma_start3A_31 : memref<1x16xi32, #tpu.memory_space<hbm>> -> memref<16xi32, #tpu.memory_space<hbm>>
      tpu.enqueue_dma source(%dma_start3A_32 : memref<16xi32, #tpu.memory_space<hbm>>) target(%arg6 : memref<16xi32, #tpu.memory_space<vmem>>) target_semaphore(%run_scoped3A : memref<!tpu.dma_semaphore, #tpu.memory_space<semaphore_mem>>)
      %dma_wait3A = arith.constant 0 : i32
      %dma_wait3A_33 = tpu.memref_slice %arg3[%add3A, %dma_wait3A] : memref<32x16xi32, #tpu.memory_space<hbm>> -> memref<1x16xi32, #tpu.memory_space<hbm>>
      %dma_wait3A_34 = tpu.memref_squeeze %dma_wait3A_33 : memref<1x16xi32, #tpu.memory_space<hbm>> -> memref<16xi32, #tpu.memory_space<hbm>>
      %dma_wait3A_35 = arith.constant 0 : i32
      %dma_wait3A_36 = tpu.memref_slice %arg3[%add3A, %dma_wait3A_35] : memref<32x16xi32, #tpu.memory_space<hbm>> -> memref<1x16xi32, #tpu.memory_space<hbm>>
      %dma_wait3A_37 = tpu.memref_squeeze %dma_wait3A_36 : memref<1x16xi32, #tpu.memory_space<hbm>> -> memref<16xi32, #tpu.memory_space<hbm>>
      tpu.wait_dma2 semaphore(%run_scoped3A : memref<!tpu.dma_semaphore, #tpu.memory_space<semaphore_mem>>) src(%dma_wait3A_37 : memref<16xi32, #tpu.memory_space<hbm>>) dst(%arg6 : memref<16xi32, #tpu.memory_space<vmem>>)
      tpu.yield
    }) : () -> ()
    %get3A = arith.constant 0 : index
    %get3A_1 = tpu.vector_load %arg6[%get3A] {strides = array<i32>} : memref<16xi32, #tpu.memory_space<vmem>>, vector<16xi32>,
    %reduce_max3A = arith.constant true
    %reduce_max3A_2 = vector.broadcast %reduce_max3A : i1 to vector<16xi1>
    %reduce_max3A_3 = arith.constant -2147483648 : i32
    %reduce_max3A_4 = vector.broadcast %reduce_max3A_3 : i32 to vector<16xi32>
    %reduce_max3A_5 = arith.xori %get3A_1, %reduce_max3A_4 : vector<16xi32>
    %reduce_max3A_6 = tpu.scan <max>, %reduce_max3A_5 masked %reduce_max3A_2 : vector<16xi32>, vector<16xi1> -> vector<16xi32>
    %reduce_max3A_7 = arith.xori %reduce_max3A_6, %reduce_max3A_4 : vector<16xi32>
    %reduce_max3A_8 = vector.extract %reduce_max3A_7[15] : i32 from vector<16xi32>
    %broadcast_in_dim3A = arith.constant 0.000000e+00 : f32
    %broadcast_in_dim3A_9 = vector.broadcast %broadcast_in_dim3A : f32 to vector<16xf32>
    %broadcast_in_dim3A_10 = arith.constant 0 : i32
    %broadcast_in_dim3A_11 = vector.broadcast %broadcast_in_dim3A_10 : i32 to vector<16xi32>
    %scan3A = arith.constant 0 : i32
    %scan3A_12 = arith.constant 341 : i32
    %scan3A_13 = arith.addi %scan3A, %scan3A_12 : i32
    %scan3A_14 = arith.constant 1 : i32
    %scan3A_15:2 = scf.for %scan3A_28 = %scan3A to %scan3A_13 step %scan3A_14 iter_args(%scan3A_29 = %broadcast_in_dim3A_9, %scan3A_30 = %broadcast_in_dim3A_11) -> (vector<16xf32>, vector<16xi32>)  : i32 {
      %mul3A_31 = arith.constant 4 : i32
      %mul3A_32 = arith.muli %scan3A_28, %mul3A_31 : i32
      %add3A_33 = arith.constant 0 : i32
      %add3A_34 = arith.addi %mul3A_32, %add3A_33 : i32
      %mul3A_35 = arith.constant 16 : i32
      %mul3A_36 = arith.muli %add3A_34, %mul3A_35 : i32
      %get3A_37 = arith.index_cast %mul3A_36 : i32 to index
      %get3A_38 = tpu.vector_load %arg5[%get3A_37] {strides = array<i32>} : memref<21824xf32, #tpu.memory_space<vmem>>, vector<16xf32>,
      %add3A_39 = arith.addf %scan3A_29, %get3A_38 : vector<16xf32>
      %gt3A = arith.constant 0.000000e+00 : f32
      %gt3A_40 = vector.broadcast %gt3A : f32 to vector<16xf32>
      %gt3A_41 = arith.cmpf ogt, %get3A_38, %gt3A_40 : vector<16xf32>
      %convert_element_type3A_42 = arith.extui %gt3A_41 : vector<16xi1> to vector<16xi32>
      %add3A_43 = arith.addi %scan3A_30, %convert_element_type3A_42 : vector<16xi32>
      %mul3A_44 = arith.constant 4 : i32
      %mul3A_45 = arith.muli %scan3A_28, %mul3A_44 : i32
      %add3A_46 = arith.constant 1 : i32
      %add3A_47 = arith.addi %mul3A_45, %add3A_46 : i32
      %mul3A_48 = arith.constant 16 : i32
      %mul3A_49 = arith.muli %add3A_47, %mul3A_48 : i32
      %get3A_50 = arith.index_cast %mul3A_49 : i32 to index
      %get3A_51 = tpu.vector_load %arg5[%get3A_50] {strides = array<i32>} : memref<21824xf32, #tpu.memory_space<vmem>>, vector<16xf32>,
      %add3A_52 = arith.addf %add3A_39, %get3A_51 : vector<16xf32>
      %gt3A_53 = arith.constant 0.000000e+00 : f32
      %gt3A_54 = vector.broadcast %gt3A_53 : f32 to vector<16xf32>
      %gt3A_55 = arith.cmpf ogt, %get3A_51, %gt3A_54 : vector<16xf32>
      %convert_element_type3A_56 = arith.extui %gt3A_55 : vector<16xi1> to vector<16xi32>
      %add3A_57 = arith.addi %add3A_43, %convert_element_type3A_56 : vector<16xi32>
      %mul3A_58 = arith.constant 4 : i32
      %mul3A_59 = arith.muli %scan3A_28, %mul3A_58 : i32
      %add3A_60 = arith.constant 2 : i32
      %add3A_61 = arith.addi %mul3A_59, %add3A_60 : i32
      %mul3A_62 = arith.constant 16 : i32
      %mul3A_63 = arith.muli %add3A_61, %mul3A_62 : i32
      %get3A_64 = arith.index_cast %mul3A_63 : i32 to index
      %get3A_65 = tpu.vector_load %arg5[%get3A_64] {strides = array<i32>} : memref<21824xf32, #tpu.memory_space<vmem>>, vector<16xf32>,
      %add3A_66 = arith.addf %add3A_52, %get3A_65 : vector<16xf32>
      %gt3A_67 = arith.constant 0.000000e+00 : f32
      %gt3A_68 = vector.broadcast %gt3A_67 : f32 to vector<16xf32>
      %gt3A_69 = arith.cmpf ogt, %get3A_65, %gt3A_68 : vector<16xf32>
      %convert_element_type3A_70 = arith.extui %gt3A_69 : vector<16xi1> to vector<16xi32>
      %add3A_71 = arith.addi %add3A_57, %convert_element_type3A_70 : vector<16xi32>
      %mul3A_72 = arith.constant 4 : i32
      %mul3A_73 = arith.muli %scan3A_28, %mul3A_72 : i32
      %add3A_74 = arith.constant 3 : i32
      %add3A_75 = arith.addi %mul3A_73, %add3A_74 : i32
      %mul3A_76 = arith.constant 16 : i32
      %mul3A_77 = arith.muli %add3A_75, %mul3A_76 : i32
      %get3A_78 = arith.index_cast %mul3A_77 : i32 to index
      %get3A_79 = tpu.vector_load %arg5[%get3A_78] {strides = array<i32>} : memref<21824xf32, #tpu.memory_space<vmem>>, vector<16xf32>,
      %add3A_80 = arith.addf %add3A_66, %get3A_79 : vector<16xf32>
      %gt3A_81 = arith.constant 0.000000e+00 : f32
      %gt3A_82 = vector.broadcast %gt3A_81 : f32 to vector<16xf32>
      %gt3A_83 = arith.cmpf ogt, %get3A_79, %gt3A_82 : vector<16xf32>
      %convert_element_type3A_84 = arith.extui %gt3A_83 : vector<16xi1> to vector<16xi32>
      %add3A_85 = arith.addi %add3A_71, %convert_element_type3A_84 : vector<16xi32>
      scf.yield %add3A_80, %add3A_85 : vector<16xf32>, vector<16xi32>
    }
    %scan3A_16 = arith.constant 341 : i32
    %reduce_sum3A = arith.constant true
    %reduce_sum3A_17 = vector.broadcast %reduce_sum3A : i1 to vector<16xi1>
    %reduce_sum3A_18 = tpu.scan <sum>, %scan3A_15#0 masked %reduce_sum3A_17 : vector<16xf32>, vector<16xi1> -> vector<16xf32>
    %reduce_sum3A_19 = vector.extract %reduce_sum3A_18[15] : f32 from vector<16xf32>
    %reduce_sum3A_20 = arith.constant true
    %reduce_sum3A_21 = vector.broadcast %reduce_sum3A_20 : i1 to vector<16xi1>
    %reduce_sum3A_22 = tpu.scan <sum>, %scan3A_15#1 masked %reduce_sum3A_21 : vector<16xi32>, vector<16xi1> -> vector<16xi32>
    %reduce_sum3A_23 = vector.extract %reduce_sum3A_22[15] : i32 from vector<16xi32>
    %ge3A = arith.cmpi sge, %reduce_max3A_8, %reduce_sum3A_23 : i32
    %convert_element_type3A = arith.extui %ge3A : i1 to i32
    %cond3A = arith.constant 0 : i32
    %cond3A_24 = arith.cmpi ne, %convert_element_type3A, %cond3A : i32
    %cond3A_25 = scf.if %cond3A_24 -> (f32) {
      scf.yield %reduce_sum3A_19 : f32
    } else {
      %scan3A_28 = arith.constant 0 : i32
      %scan3A_29 = arith.constant 2139095040 : i32
      %scan3A_30 = arith.constant 0 : i32
      %scan3A_31 = arith.constant 31 : i32
      %scan3A_32 = arith.addi %scan3A_30, %scan3A_31 : i32
      %scan3A_33 = arith.constant 1 : i32
      %scan3A_34:2 = scf.for %scan3A_58 = %scan3A_30 to %scan3A_32 step %scan3A_33 iter_args(%scan3A_59 = %scan3A_28, %scan3A_60 = %scan3A_29) -> (i32, i32)  : i32 {
        %sub3A_61 = arith.subi %scan3A_60, %scan3A_59 : i32
        %add3A_62 = arith.constant 1 : i32
        %add3A_63 = arith.addi %sub3A_61, %add3A_62 : i32
        %jit3A = arith.constant 2 : i32
        %div3A = arith.divsi %add3A_63, %jit3A : i32
        %sign3A = arith.constant 0 : i32
        %sign3A_64 = arith.cmpi sgt, %add3A_63, %sign3A : i32
        %sign3A_65 = arith.extui %sign3A_64 : i1 to i32
        %sign3A_66 = arith.constant 0 : i32
        %sign3A_67 = arith.cmpi slt, %add3A_63, %sign3A_66 : i32
        %sign3A_68 = arith.extui %sign3A_67 : i1 to i32
        %sign3A_69 = arith.subi %sign3A_65, %sign3A_68 : i32
        %sign3A_70 = arith.constant 0 : i32
        %sign3A_71 = arith.cmpi sgt, %jit3A, %sign3A_70 : i32
        %sign3A_72 = arith.extui %sign3A_71 : i1 to i32
        %sign3A_73 = arith.constant 0 : i32
        %sign3A_74 = arith.cmpi slt, %jit3A, %sign3A_73 : i32
        %sign3A_75 = arith.extui %sign3A_74 : i1 to i32
        %sign3A_76 = arith.subi %sign3A_72, %sign3A_75 : i32
        %ne3A = arith.cmpi ne, %sign3A_69, %sign3A_76 : i32
        %rem3A = arith.remsi %add3A_63, %jit3A : i32
        %ne3A_77 = arith.constant 0 : i32
        %ne3A_78 = arith.cmpi ne, %rem3A, %ne3A_77 : i32
        %and3A = arith.andi %ne3A, %ne3A_78 : i1
        %sub3A_79 = arith.constant 1 : i32
        %sub3A_80 = arith.subi %div3A, %sub3A_79 : i32
        %select_n3A = arith.select %and3A, %sub3A_80, %div3A : i32
        %add3A_81 = arith.addi %scan3A_59, %select_n3A : i32
        %scan3A_82 = arith.constant 0 : i32
        %scan3A_83 = arith.constant 1364 : i32
        %scan3A_84 = arith.addi %scan3A_82, %scan3A_83 : i32
        %scan3A_85 = arith.constant 1 : i32
        %scan3A_86 = scf.for %scan3A_97 = %scan3A_82 to %scan3A_84 step %scan3A_85 iter_args(%scan3A_98 = %broadcast_in_dim3A_11) -> (vector<16xi32>)  : i32 {
          %mul3A_99 = arith.constant 16 : i32
          %mul3A_100 = arith.muli %scan3A_97, %mul3A_99 : i32
          %get3A_101 = arith.index_cast %mul3A_100 : i32 to index
          %get3A_102 = tpu.vector_load %arg5[%get3A_101] {strides = array<i32>} : memref<21824xf32, #tpu.memory_space<vmem>>, vector<16xf32>,
          %bitcast3A_103 = vector.bitcast %get3A_102 : vector<16xf32> to vector<16xi32>
          %ge3A_104 = vector.broadcast %add3A_81 : i32 to vector<16xi32>
          %ge3A_105 = arith.cmpi sge, %bitcast3A_103, %ge3A_104 : vector<16xi32>
          %convert_element_type3A_106 = arith.extui %ge3A_105 : vector<16xi1> to vector<16xi32>
          %add3A_107 = arith.addi %scan3A_98, %convert_element_type3A_106 : vector<16xi32>
          scf.yield %add3A_107 : vector<16xi32>
        }
        %scan3A_87 = arith.constant 1364 : i32
        %reduce_sum3A_88 = arith.constant true
        %reduce_sum3A_89 = vector.broadcast %reduce_sum3A_88 : i1 to vector<16xi1>
        %reduce_sum3A_90 = tpu.scan <sum>, %scan3A_86 masked %reduce_sum3A_89 : vector<16xi32>, vector<16xi1> -> vector<16xi32>
        %reduce_sum3A_91 = vector.extract %reduce_sum3A_90[15] : i32 from vector<16xi32>
        %ge3A_92 = arith.cmpi sge, %reduce_sum3A_91, %reduce_max3A_8 : i32
        %select_n3A_93 = arith.select %ge3A_92, %add3A_81, %scan3A_59 : i32
        %sub3A_94 = arith.constant 1 : i32
        %sub3A_95 = arith.subi %add3A_81, %sub3A_94 : i32
        %select_n3A_96 = arith.select %ge3A_92, %scan3A_60, %sub3A_95 : i32
        scf.yield %select_n3A_93, %select_n3A_96 : i32, i32
      }
      %scan3A_35 = arith.constant 31 : i32
      %broadcast_in_dim3A_36 = vector.broadcast %scan3A_34#0 : i32 to vector<16xi32>
      %bitcast3A = vector.bitcast %broadcast_in_dim3A_36 : vector<16xi32> to vector<16xf32>
      %reduce_max3A_37 = arith.constant true
      %reduce_max3A_38 = vector.broadcast %reduce_max3A_37 : i1 to vector<16xi1>
      %reduce_max3A_39 = tpu.scan <max>, %bitcast3A masked %reduce_max3A_38 : vector<16xf32>, vector<16xi1> -> vector<16xf32>
      %reduce_max3A_40 = vector.extract %reduce_max3A_39[15] : f32 from vector<16xf32>
      %scan3A_41 = arith.constant 0 : i32
      %scan3A_42 = arith.constant 1364 : i32
      %scan3A_43 = arith.addi %scan3A_41, %scan3A_42 : i32
      %scan3A_44 = arith.constant 1 : i32
      %scan3A_45:2 = scf.for %scan3A_58 = %scan3A_41 to %scan3A_43 step %scan3A_44 iter_args(%scan3A_59 = %broadcast_in_dim3A_9, %scan3A_60 = %broadcast_in_dim3A_11) -> (vector<16xf32>, vector<16xi32>)  : i32 {
        %mul3A_61 = arith.constant 16 : i32
        %mul3A_62 = arith.muli %scan3A_58, %mul3A_61 : i32
        %get3A_63 = arith.index_cast %mul3A_62 : i32 to index
        %get3A_64 = tpu.vector_load %arg5[%get3A_63] {strides = array<i32>} : memref<21824xf32, #tpu.memory_space<vmem>>, vector<16xf32>,
        %bitcast3A_65 = vector.bitcast %get3A_64 : vector<16xf32> to vector<16xi32>
        %gt3A = vector.broadcast %scan3A_34#0 : i32 to vector<16xi32>
        %gt3A_66 = arith.cmpi sgt, %bitcast3A_65, %gt3A : vector<16xi32>
        %jit3A = arith.constant 0.000000e+00 : f32
        %broadcast_in_dim3A_67 = vector.broadcast %jit3A : f32 to vector<16xf32>
        %select_n3A = arith.select %gt3A_66, %get3A_64, %broadcast_in_dim3A_67 : vector<16xi1>, vector<16xf32>
        %add3A_68 = arith.addf %scan3A_59, %select_n3A : vector<16xf32>
        %convert_element_type3A_69 = arith.extui %gt3A_66 : vector<16xi1> to vector<16xi32>
        %add3A_70 = arith.addi %scan3A_60, %convert_element_type3A_69 : vector<16xi32>
        scf.yield %add3A_68, %add3A_70 : vector<16xf32>, vector<16xi32>
      }
      %scan3A_46 = arith.constant 1364 : i32
      %reduce_sum3A_47 = arith.constant true
      %reduce_sum3A_48 = vector.broadcast %reduce_sum3A_47 : i1 to vector<16xi1>
      %reduce_sum3A_49 = tpu.scan <sum>, %scan3A_45#0 masked %reduce_sum3A_48 : vector<16xf32>, vector<16xi1> -> vector<16xf32>
      %reduce_sum3A_50 = vector.extract %reduce_sum3A_49[15] : f32 from vector<16xf32>
      %reduce_sum3A_51 = arith.constant true
      %reduce_sum3A_52 = vector.broadcast %reduce_sum3A_51 : i1 to vector<16xi1>
      %reduce_sum3A_53 = tpu.scan <sum>, %scan3A_45#1 masked %reduce_sum3A_52 : vector<16xi32>, vector<16xi1> -> vector<16xi32>
      %reduce_sum3A_54 = vector.extract %reduce_sum3A_53[15] : i32 from vector<16xi32>
      %sub3A = arith.subi %reduce_max3A_8, %reduce_sum3A_54 : i32
      %convert_element_type3A_55 = arith.sitofp %sub3A : i32 to f32
      %mul3A_56 = arith.mulf %convert_element_type3A_55, %reduce_max3A_40 : f32
      %add3A_57 = arith.addf %reduce_sum3A_50, %mul3A_56 : f32
      scf.yield %add3A_57 : f32
    }
    %broadcast_in_dim3A_26 = vector.broadcast %cond3A_25 : f32 to vector<16xf32>
    %swap3A = arith.constant 0 : index
    %swap3A_27 = tpu.vector_load %arg7[%swap3A] {strides = array<i32>} : memref<16xf32, #tpu.memory_space<vmem>>, vector<16xf32>,
    tpu.vector_store %arg7[%swap3A], %broadcast_in_dim3A_26 {strides = array<i32>} : memref<16xf32, #tpu.memory_space<vmem>>, vector<16xf32>,
    "tpu.region"() ({
      %run_scoped3A = tpu.sem_alloc : memref<!tpu.dma_semaphore, #tpu.memory_space<semaphore_mem>>
      %dma_start3A = arith.constant 0 : i32
      %dma_start3A_28 = tpu.memref_slice %arg4[%add3A, %dma_start3A] : memref<32x16xf32, #tpu.memory_space<hbm>> -> memref<1x16xf32, #tpu.memory_space<hbm>>
      %dma_start3A_29 = tpu.memref_squeeze %dma_start3A_28 : memref<1x16xf32, #tpu.memory_space<hbm>> -> memref<16xf32, #tpu.memory_space<hbm>>
      %dma_start3A_30 = arith.constant 0 : i32
      %dma_start3A_31 = tpu.memref_slice %arg4[%add3A, %dma_start3A_30] : memref<32x16xf32, #tpu.memory_space<hbm>> -> memref<1x16xf32, #tpu.memory_space<hbm>>
      %dma_start3A_32 = tpu.memref_squeeze %dma_start3A_31 : memref<1x16xf32, #tpu.memory_space<hbm>> -> memref<16xf32, #tpu.memory_space<hbm>>
      tpu.enqueue_dma source(%arg7 : memref<16xf32, #tpu.memory_space<vmem>>) target(%dma_start3A_32 : memref<16xf32, #tpu.memory_space<hbm>>) target_semaphore(%run_scoped3A : memref<!tpu.dma_semaphore, #tpu.memory_space<semaphore_mem>>)
      %dma_wait3A = arith.constant 0 : i32
      %dma_wait3A_33 = tpu.memref_slice %arg4[%add3A, %dma_wait3A] : memref<32x16xf32, #tpu.memory_space<hbm>> -> memref<1x16xf32, #tpu.memory_space<hbm>>
      %dma_wait3A_34 = tpu.memref_squeeze %dma_wait3A_33 : memref<1x16xf32, #tpu.memory_space<hbm>> -> memref<16xf32, #tpu.memory_space<hbm>>
      %dma_wait3A_35 = arith.constant 0 : i32
      %dma_wait3A_36 = tpu.memref_slice %arg4[%add3A, %dma_wait3A_35] : memref<32x16xf32, #tpu.memory_space<hbm>> -> memref<1x16xf32, #tpu.memory_space<hbm>>
      %dma_wait3A_37 = tpu.memref_squeeze %dma_wait3A_36 : memref<1x16xf32, #tpu.memory_space<hbm>> -> memref<16xf32, #tpu.memory_space<hbm>>
      tpu.wait_dma2 semaphore(%run_scoped3A : memref<!tpu.dma_semaphore, #tpu.memory_space<semaphore_mem>>) src(%arg7 : memref<16xf32, #tpu.memory_space<vmem>>) dst(%dma_wait3A_37 : memref<16xf32, #tpu.memory_space<hbm>>)
      tpu.yield
    }) : () -> ()
    return
  }
}

module attributes {stable_mosaic.version = 14 : i64} {
  func.func @_conf_body(%arg0: i32, %arg1: memref<64x7296xf32, #tpu.memory_space<vmem>>, %arg2: memref<32x7296xi32, #tpu.memory_space<vmem>>, %arg3: memref<32x7296xf32, #tpu.memory_space<vmem>>, %arg4: memref<32x128xf32, #tpu.memory_space<vmem>>) attributes {dimension_semantics = [#tpu.dimension_semantics<arbitrary>], iteration_bounds = array<i64: 3>, scalar_prefetch = 0 : i64, scratch_operands = 0 : i64, tpu.core_type = #tpu.core_type<tc>, window_params = [{transform_indices = @transform_0, window_bounds = array<i64: 64, 7296>}, {transform_indices = @transform_1, window_bounds = array<i64: 32, 7296>}, {transform_indices = @transform_2, window_bounds = array<i64: 32, 7296>}, {pipeline_mode = #tpu.pipeline_mode<synchronous>, transform_indices = @transform_3, window_bounds = array<i64: 32, 128>}]} {
    %get3A = arith.constant 0 : index
    %get3A_0 = arith.constant 0 : index
    %get3A_1 = vector.load %arg2[%get3A, %get3A_0] : memref<32x7296xi32, #tpu.memory_space<vmem>>, vector<32x7296xi32>
    %gt3A = arith.constant 0 : i32
    %gt3A_2 = vector.broadcast %gt3A : i32 to vector<32x7296xi32>
    %gt3A_3 = arith.cmpi sgt, %get3A_1, %gt3A_2 : vector<32x7296xi32>
    %get3A_4 = arith.constant 0 : index
    %get3A_5 = arith.constant 0 : index
    %get3A_6 = vector.load %arg1[%get3A_4, %get3A_5] : memref<64x7296xf32, #tpu.memory_space<vmem>>, vector<32x7296xf32>
    %get3A_7 = arith.constant 32 : index
    %get3A_8 = arith.constant 0 : index
    %get3A_9 = vector.load %arg1[%get3A_7, %get3A_8] : memref<64x7296xf32, #tpu.memory_space<vmem>>, vector<32x7296xf32>
    %max3A = arith.maximumf %get3A_6, %get3A_9 : vector<32x7296xf32>
    %min3A = arith.minimumf %get3A_6, %get3A_9 : vector<32x7296xf32>
    %sub3A = arith.subf %min3A, %max3A : vector<32x7296xf32>
    %exp3A = math.exp %sub3A : vector<32x7296xf32>
    %add3A = arith.constant 1.000000e+00 : f32
    %add3A_10 = vector.broadcast %add3A : f32 to vector<32x7296xf32>
    %add3A_11 = arith.addf %add3A_10, %exp3A : vector<32x7296xf32>
    %log3A = math.log %add3A_11 : vector<32x7296xf32>
    %add3A_12 = arith.addf %max3A, %log3A : vector<32x7296xf32>
    %select_n3A = arith.select %gt3A_3, %get3A_9, %get3A_6 : vector<32x7296xi1>, vector<32x7296xf32>
    %sub3A_13 = arith.subf %add3A_12, %select_n3A : vector<32x7296xf32>
    %iota3A = tpu.iota {dimensions = array<i32: 1>} : vector<32x7296xi32>
    %mul3A = arith.constant 7296 : i32
    %mul3A_14 = arith.muli %arg0, %mul3A : i32
    %add3A_15 = vector.broadcast %mul3A_14 : i32 to vector<32x7296xi32>
    %add3A_16 = arith.addi %iota3A, %add3A_15 : vector<32x7296xi32>
    %lt3A = arith.constant 21824 : i32
    %lt3A_17 = vector.broadcast %lt3A : i32 to vector<32x7296xi32>
    %lt3A_18 = arith.cmpi slt, %add3A_16, %lt3A_17 : vector<32x7296xi32>
    %not3A = arith.constant dense<true> : vector<32x7296xi1>
    %not3A_19 = arith.xori %gt3A_3, %not3A : vector<32x7296xi1>
    %and3A = arith.andi %lt3A_18, %not3A_19 : vector<32x7296xi1>
    %max3A_20 = arith.constant 0.000000e+00 : f32
    %max3A_21 = vector.broadcast %max3A_20 : f32 to vector<32x7296xf32>
    %max3A_22 = arith.maximumf %sub3A_13, %max3A_21 : vector<32x7296xf32>
    %jit3A = arith.constant 0.000000e+00 : f32
    %broadcast_in_dim3A = vector.broadcast %jit3A : f32 to vector<32x7296xf32>
    %select_n3A_23 = arith.select %and3A, %max3A_22, %broadcast_in_dim3A : vector<32x7296xi1>, vector<32x7296xf32>
    %swap3A = arith.constant 0 : index
    %swap3A_24 = arith.constant 0 : index
    %swap3A_25 = vector.load %arg3[%swap3A, %swap3A_24] : memref<32x7296xf32, #tpu.memory_space<vmem>>, vector<32x7296xf32>
    tpu.vector_store %arg3[%swap3A, %swap3A_24], %select_n3A_23 {strides = array<i32>} : memref<32x7296xf32, #tpu.memory_space<vmem>>, vector<32x7296xf32>,
    %and3A_26 = arith.andi %lt3A_18, %gt3A_3 : vector<32x7296xi1>
    %jit3A_27 = arith.constant 1.000000e+00 : f32
    %jit3A_28 = arith.constant 0.000000e+00 : f32
    %broadcast_in_dim3A_29 = vector.broadcast %jit3A_27 : f32 to vector<32x7296xf32>
    %broadcast_in_dim3A_30 = vector.broadcast %jit3A_28 : f32 to vector<32x7296xf32>
    %select_n3A_31 = arith.select %and3A_26, %broadcast_in_dim3A_29, %broadcast_in_dim3A_30 : vector<32x7296xi1>, vector<32x7296xf32>
    %reduce_sum3A = arith.constant dense<0.000000e+00> : vector<32xf32>
    %reduce_sum3A_32 = vector.multi_reduction <add>, %select_n3A_31, %reduce_sum3A [1] : vector<32x7296xf32> to vector<32xf32>
    %broadcast_in_dim3A_33 = vector.shape_cast %reduce_sum3A_32 : vector<32xf32> to vector<32x1xf32>
    %jit3A_34 = arith.constant 0.000000e+00 : f32
    %broadcast_in_dim3A_35 = vector.broadcast %jit3A_34 : f32 to vector<32x7296xf32>
    %select_n3A_36 = arith.select %and3A_26, %sub3A_13, %broadcast_in_dim3A_35 : vector<32x7296xi1>, vector<32x7296xf32>
    %reduce_sum3A_37 = arith.constant dense<0.000000e+00> : vector<32xf32>
    %reduce_sum3A_38 = vector.multi_reduction <add>, %select_n3A_36, %reduce_sum3A_37 [1] : vector<32x7296xf32> to vector<32xf32>
    %broadcast_in_dim3A_39 = vector.shape_cast %reduce_sum3A_38 : vector<32xf32> to vector<32x1xf32>
    %iota3A_40 = tpu.iota {dimensions = array<i32: 1>} : vector<32x128xi32>
    %eq3A = arith.constant 0 : i32
    %eq3A_41 = vector.broadcast %eq3A : i32 to vector<32x128xi32>
    %eq3A_42 = arith.cmpi eq, %iota3A_40, %eq3A_41 : vector<32x128xi32>
    %jit3A_43 = arith.constant 0.000000e+00 : f32
    %broadcast_in_dim3A_44 = vector.shape_cast %broadcast_in_dim3A_33 : vector<32x1xf32> to vector<32x1xf32>
    %broadcast_in_dim3A_45 = vector.broadcast %broadcast_in_dim3A_44 : vector<32x1xf32> to vector<32x128xf32>
    %broadcast_in_dim3A_46 = vector.broadcast %jit3A_43 : f32 to vector<32x128xf32>
    %select_n3A_47 = arith.select %eq3A_42, %broadcast_in_dim3A_45, %broadcast_in_dim3A_46 : vector<32x128xi1>, vector<32x128xf32>
    %eq3A_48 = arith.constant 1 : i32
    %eq3A_49 = vector.broadcast %eq3A_48 : i32 to vector<32x128xi32>
    %eq3A_50 = arith.cmpi eq, %iota3A_40, %eq3A_49 : vector<32x128xi32>
    %jit3A_51 = arith.constant 0.000000e+00 : f32
    %broadcast_in_dim3A_52 = vector.shape_cast %broadcast_in_dim3A_39 : vector<32x1xf32> to vector<32x1xf32>
    %broadcast_in_dim3A_53 = vector.broadcast %broadcast_in_dim3A_52 : vector<32x1xf32> to vector<32x128xf32>
    %broadcast_in_dim3A_54 = vector.broadcast %jit3A_51 : f32 to vector<32x128xf32>
    %select_n3A_55 = arith.select %eq3A_50, %broadcast_in_dim3A_53, %broadcast_in_dim3A_54 : vector<32x128xi1>, vector<32x128xf32>
    %add3A_56 = arith.addf %select_n3A_47, %select_n3A_55 : vector<32x128xf32>
    %eq3A_57 = arith.constant 0 : i32
    %eq3A_58 = arith.cmpi eq, %arg0, %eq3A_57 : i32
    %convert_element_type3A = arith.extui %eq3A_58 : i1 to i32
    %cond3A = arith.constant 0 : i32
    %cond3A_59 = arith.cmpi ne, %convert_element_type3A, %cond3A : i32
    scf.if %cond3A_59 {
      %broadcast_in_dim3A_67 = arith.constant 0.000000e+00 : f32
      %broadcast_in_dim3A_68 = vector.broadcast %broadcast_in_dim3A_67 : f32 to vector<32x128xf32>
      %swap3A_69 = arith.constant 0 : index
      %swap3A_70 = arith.constant 0 : index
      %swap3A_71 = vector.load %arg4[%swap3A_69, %swap3A_70] : memref<32x128xf32, #tpu.memory_space<vmem>>, vector<32x128xf32>
      tpu.vector_store %arg4[%swap3A_69, %swap3A_70], %broadcast_in_dim3A_68 {strides = array<i32>} : memref<32x128xf32, #tpu.memory_space<vmem>>, vector<32x128xf32>,
    } else {
    }
    %get3A_60 = arith.constant 0 : index
    %get3A_61 = arith.constant 0 : index
    %get3A_62 = vector.load %arg4[%get3A_60, %get3A_61] : memref<32x128xf32, #tpu.memory_space<vmem>>, vector<32x128xf32>
    %add3A_63 = arith.addf %get3A_62, %add3A_56 : vector<32x128xf32>
    %swap3A_64 = arith.constant 0 : index
    %swap3A_65 = arith.constant 0 : index
    %swap3A_66 = vector.load %arg4[%swap3A_64, %swap3A_65] : memref<32x128xf32, #tpu.memory_space<vmem>>, vector<32x128xf32>
    tpu.vector_store %arg4[%swap3A_64, %swap3A_65], %add3A_63 {strides = array<i32>} : memref<32x128xf32, #tpu.memory_space<vmem>>, vector<32x128xf32>,
    return
  }
  func.func @transform_0(%arg0: i32) -> (i32, i32) {
    %c0_i32 = arith.constant 0 : i32
    %c0_i32_0 = arith.constant 0 : i32
    return %c0_i32, %arg0 : i32, i32
  }
  func.func @transform_1(%arg0: i32) -> (i32, i32) {
    %c0_i32 = arith.constant 0 : i32
    %c0_i32_0 = arith.constant 0 : i32
    return %c0_i32, %arg0 : i32, i32
  }
  func.func @transform_2(%arg0: i32) -> (i32, i32) {
    %c0_i32 = arith.constant 0 : i32
    %c0_i32_0 = arith.constant 0 : i32
    return %c0_i32, %arg0 : i32, i32
  }
  func.func @transform_3(%arg0: i32) -> (i32, i32) {
    %c0_i32 = arith.constant 0 : i32
    %c0_i32_0 = arith.constant 0 : i32
    %c0_i32_1 = arith.constant 0 : i32
    return %c0_i32, %c0_i32_0 : i32, i32
  }
}

module attributes {stable_mosaic.version = 14 : i64} {
  func.func @_loc_body(%arg0: i32, %arg1: memref<128x7296xf32, #tpu.memory_space<vmem>>, %arg2: memref<32x7296xi32, #tpu.memory_space<vmem>>, %arg3: memref<32x128xf32, #tpu.memory_space<vmem>>) attributes {dimension_semantics = [#tpu.dimension_semantics<arbitrary>], iteration_bounds = array<i64: 3>, scalar_prefetch = 0 : i64, scratch_operands = 0 : i64, tpu.core_type = #tpu.core_type<tc>, window_params = [{transform_indices = @transform_0, window_bounds = array<i64: 128, 7296>}, {transform_indices = @transform_1, window_bounds = array<i64: 32, 7296>}, {pipeline_mode = #tpu.pipeline_mode<synchronous>, transform_indices = @transform_2, window_bounds = array<i64: 32, 128>}]} {
    %get3A = arith.constant 0 : index
    %get3A_0 = arith.constant 0 : index
    %get3A_1 = vector.load %arg1[%get3A, %get3A_0] : memref<128x7296xf32, #tpu.memory_space<vmem>>, vector<128x7296xf32>
    %abs3A = math.absf %get3A_1 : vector<128x7296xf32>
    %lt3A = arith.constant 1.000000e+00 : f32
    %lt3A_2 = vector.broadcast %lt3A : f32 to vector<128x7296xf32>
    %lt3A_3 = arith.cmpf olt, %abs3A, %lt3A_2 : vector<128x7296xf32>
    %mul3A = arith.constant 5.000000e-01 : f32
    %mul3A_4 = vector.broadcast %mul3A : f32 to vector<128x7296xf32>
    %mul3A_5 = arith.mulf %mul3A_4, %get3A_1 : vector<128x7296xf32>
    %mul3A_6 = arith.mulf %mul3A_5, %get3A_1 : vector<128x7296xf32>
    %sub3A = arith.constant 5.000000e-01 : f32
    %sub3A_7 = vector.broadcast %sub3A : f32 to vector<128x7296xf32>
    %sub3A_8 = arith.subf %abs3A, %sub3A_7 : vector<128x7296xf32>
    %select_n3A = arith.select %lt3A_3, %mul3A_6, %sub3A_8 : vector<128x7296xi1>, vector<128x7296xf32>
    %slice3A = vector.extract_strided_slice %select_n3A {offsets = [0, 0], sizes = [32, 7296], strides = [1, 1]} : vector<128x7296xf32> to vector<32x7296xf32>
    %slice3A_9 = vector.extract_strided_slice %select_n3A {offsets = [32, 0], sizes = [32, 7296], strides = [1, 1]} : vector<128x7296xf32> to vector<32x7296xf32>
    %add3A = arith.addf %slice3A, %slice3A_9 : vector<32x7296xf32>
    %slice3A_10 = vector.extract_strided_slice %select_n3A {offsets = [64, 0], sizes = [32, 7296], strides = [1, 1]} : vector<128x7296xf32> to vector<32x7296xf32>
    %add3A_11 = arith.addf %add3A, %slice3A_10 : vector<32x7296xf32>
    %slice3A_12 = vector.extract_strided_slice %select_n3A {offsets = [96, 0], sizes = [32, 7296], strides = [1, 1]} : vector<128x7296xf32> to vector<32x7296xf32>
    %add3A_13 = arith.addf %add3A_11, %slice3A_12 : vector<32x7296xf32>
    %iota3A = tpu.iota {dimensions = array<i32: 1>} : vector<32x7296xi32>
    %mul3A_14 = arith.constant 7296 : i32
    %mul3A_15 = arith.muli %arg0, %mul3A_14 : i32
    %add3A_16 = vector.broadcast %mul3A_15 : i32 to vector<32x7296xi32>
    %add3A_17 = arith.addi %iota3A, %add3A_16 : vector<32x7296xi32>
    %lt3A_18 = arith.constant 21824 : i32
    %lt3A_19 = vector.broadcast %lt3A_18 : i32 to vector<32x7296xi32>
    %lt3A_20 = arith.cmpi slt, %add3A_17, %lt3A_19 : vector<32x7296xi32>
    %get3A_21 = arith.constant 0 : index
    %get3A_22 = arith.constant 0 : index
    %get3A_23 = vector.load %arg2[%get3A_21, %get3A_22] : memref<32x7296xi32, #tpu.memory_space<vmem>>, vector<32x7296xi32>
    %gt3A = arith.constant 0 : i32
    %gt3A_24 = vector.broadcast %gt3A : i32 to vector<32x7296xi32>
    %gt3A_25 = arith.cmpi sgt, %get3A_23, %gt3A_24 : vector<32x7296xi32>
    %and3A = arith.andi %lt3A_20, %gt3A_25 : vector<32x7296xi1>
    %jit3A = arith.constant 0.000000e+00 : f32
    %broadcast_in_dim3A = vector.broadcast %jit3A : f32 to vector<32x7296xf32>
    %select_n3A_26 = arith.select %and3A, %add3A_13, %broadcast_in_dim3A : vector<32x7296xi1>, vector<32x7296xf32>
    %reduce_sum3A = arith.constant dense<0.000000e+00> : vector<32xf32>
    %reduce_sum3A_27 = vector.multi_reduction <add>, %select_n3A_26, %reduce_sum3A [1] : vector<32x7296xf32> to vector<32xf32>
    %broadcast_in_dim3A_28 = vector.shape_cast %reduce_sum3A_27 : vector<32xf32> to vector<32x1xf32>
    %iota3A_29 = tpu.iota {dimensions = array<i32: 1>} : vector<32x128xi32>
    %eq3A = arith.constant 0 : i32
    %eq3A_30 = vector.broadcast %eq3A : i32 to vector<32x128xi32>
    %eq3A_31 = arith.cmpi eq, %iota3A_29, %eq3A_30 : vector<32x128xi32>
    %jit3A_32 = arith.constant 0.000000e+00 : f32
    %broadcast_in_dim3A_33 = vector.shape_cast %broadcast_in_dim3A_28 : vector<32x1xf32> to vector<32x1xf32>
    %broadcast_in_dim3A_34 = vector.broadcast %broadcast_in_dim3A_33 : vector<32x1xf32> to vector<32x128xf32>
    %broadcast_in_dim3A_35 = vector.broadcast %jit3A_32 : f32 to vector<32x128xf32>
    %select_n3A_36 = arith.select %eq3A_31, %broadcast_in_dim3A_34, %broadcast_in_dim3A_35 : vector<32x128xi1>, vector<32x128xf32>
    %eq3A_37 = arith.constant 0 : i32
    %eq3A_38 = arith.cmpi eq, %arg0, %eq3A_37 : i32
    %convert_element_type3A = arith.extui %eq3A_38 : i1 to i32
    %cond3A = arith.constant 0 : i32
    %cond3A_39 = arith.cmpi ne, %convert_element_type3A, %cond3A : i32
    scf.if %cond3A_39 {
      %broadcast_in_dim3A_46 = arith.constant 0.000000e+00 : f32
      %broadcast_in_dim3A_47 = vector.broadcast %broadcast_in_dim3A_46 : f32 to vector<32x128xf32>
      %swap3A_48 = arith.constant 0 : index
      %swap3A_49 = arith.constant 0 : index
      %swap3A_50 = vector.load %arg3[%swap3A_48, %swap3A_49] : memref<32x128xf32, #tpu.memory_space<vmem>>, vector<32x128xf32>
      tpu.vector_store %arg3[%swap3A_48, %swap3A_49], %broadcast_in_dim3A_47 {strides = array<i32>} : memref<32x128xf32, #tpu.memory_space<vmem>>, vector<32x128xf32>,
    } else {
    }
    %get3A_40 = arith.constant 0 : index
    %get3A_41 = arith.constant 0 : index
    %get3A_42 = vector.load %arg3[%get3A_40, %get3A_41] : memref<32x128xf32, #tpu.memory_space<vmem>>, vector<32x128xf32>
    %add3A_43 = arith.addf %get3A_42, %select_n3A_36 : vector<32x128xf32>
    %swap3A = arith.constant 0 : index
    %swap3A_44 = arith.constant 0 : index
    %swap3A_45 = vector.load %arg3[%swap3A, %swap3A_44] : memref<32x128xf32, #tpu.memory_space<vmem>>, vector<32x128xf32>
    tpu.vector_store %arg3[%swap3A, %swap3A_44], %add3A_43 {strides = array<i32>} : memref<32x128xf32, #tpu.memory_space<vmem>>, vector<32x128xf32>,
    return
  }
  func.func @transform_0(%arg0: i32) -> (i32, i32) {
    %c0_i32 = arith.constant 0 : i32
    %c0_i32_0 = arith.constant 0 : i32
    return %c0_i32, %arg0 : i32, i32
  }
  func.func @transform_1(%arg0: i32) -> (i32, i32) {
    %c0_i32 = arith.constant 0 : i32
    %c0_i32_0 = arith.constant 0 : i32
    return %c0_i32, %arg0 : i32, i32
  }
  func.func @transform_2(%arg0: i32) -> (i32, i32) {
    %c0_i32 = arith.constant 0 : i32
    %c0_i32_0 = arith.constant 0 : i32
    %c0_i32_1 = arith.constant 0 : i32
    return %c0_i32, %c0_i32_0 : i32, i32
  }
}

</mosaic_0001>

<sc_bundles>
// kernel: kernel.5.cloned.1.call-start
scs
__scs_entry_jumppad:
0x0: {  	(pc) =	sbr.rel $0x88, $3  }
0x1: {  	(tag) =	ssettag $0x0;
	lr =	simm.s32 $0x1  }
0x2: {  	[smem:$0x3F9D] =	sst lr;
	_ =	strace $0xD0000000  }
0x3: {  	_ = 	snop  }
0x4: {  	_ = 	snop  }
0x5: {  	_ = 	snop  }
0x6: {  	_ = 	snop  }
0x7: {  	_ = 	snop  }
__scs_overlays_trampoline_lowered:
0x8: {  	[smem:$0x3FAC] =	sst s0  }
0x9: {  	[smem:$0x3FAD] =	sst s1  }
0xa: {  	[smem:$0x3FAE] =	sst s2  }
0xb: {  	[smem:$0x3FAF] =	sst s3  }
0xc: {  	[smem:$0x3FB0] =	sst s4  }
0xd: {  	[smem:$0x3FB1] =	sst s5  }
0xe: {  	[smem:$0x3FB2] =	sst s6  }
0xf: {  	[smem:$0x3FB3] =	sst s7  }
0x10: {  	[smem:$0x3FB4] =	sst s8  }
0x11: {  	[smem:$0x3FB5] =	sst s9;
	s0 =	simm.s32 @!p0 $0x0  }
0x12: {  	s1 =	sld [smem:$0x3F9B];
	s0 =	simm.s32 @p0 $0x1  }
0x13: {  	[smem:$0x3FB6] =	sst s0;
	s0 =	simm.s32 @!p1 $0x0  }
0x14: {  	s2 =	sld [smem:$0x3F9A];
	s0 =	simm.s32 @p1 $0x1  }
0x15: {  	[smem:$0x3FB7] =	sst s0;
	s0 =	simm.s32 @!p2 $0x0  }
0x16: {  	s3 =	sld [smem:$0x3FDB];
	s0 =	simm.s32 @p2 $0x1  }
0x17: {  	s4 =	simm.s32 $0x1BF5;
	[smem:$0x3FB9] =	sst s0  }
0x18: {  	s0 =	sld [smem:$0x3F9C];
	_ =	swait.ge [sflag:s4], $0x0  }
0x19: {  	s7 =	sld [smem:$0x3F9D]  }
0x1a: {  	s8 =	sadd.s32 $0xFFFFE003, lr  }
0x1b: {  	s9 =	sadd.s32 $0xFFFFFEF7, lr;
	s5 =	simm.s32 $0xFFFFFFFF;
	p2 =	slt.u32 s8, $0xFFFFF086  }
0x1c: {  	p1 =	slt.u32 s9, $0xF7A;
	s5 =	simm.s32 @!p2 $0x0  }
0x1d: {  	s5 =	simm.s32 @p1 $0x1;
	p0 =	seq.s32 s7, s2  }
0x1e: {  	s7 =	smul.u32 @!p0 $0xF7A, s2;
	p2 =	seq.s32 @!p0 s5, $0x0  }
0x1f: {  	s9 =	smul.u32 $0xF7A, s1;
	s8 =	simm.s32 @!p0 $0x1BF5;
	p2 =	por !p2, p0  }
0x20: {  	[sflag:s8] =	ssyncset.s32 @!p0 $0xFFFFF086;
	s6 =	sadd.s32 @!p0 s3, s7;
	s7 =	simm.s32 @!p0 $0x108  }
0x21: {  	s3 =	sadd.s32 s3, s9;
	s6 =	sadd.s32 @!p0 $0x88, s6;
	s7 =	simm.s32 @p2 $0x1082  }
0x22: {  	[simem:s7], [sflag:s8] =	dma.local @!p0 [hbm:s6], $0xF7A  }
0x23: {  	s9 =	sor.u32 $0xD0000000, s2;
	s6 =	simm.s32 $0x108;
	_ =	swait.ge @!p0 [sflag:s8], $0x0  }
0x24: {  	s3 =	sadd.s32 $0x88, s3;
	s6 =	simm.s32 @!p1 $0x1082;
	[sflag:s4] =	ssyncset.s32 $0xFFFFF086  }
0x25: {  	[simem:s6], [sflag:s4] =	dma.local [hbm:s3], $0xF7A  }
0x26: {  	[smem:$0x3F9D] =	sst s1;
	(tag) =	ssettag s2;
	_ =	strace s9  }
0x27: {  	s1 =	sld [smem:$0x3FAD]  }
0x28: {  	s2 =	sld [smem:$0x3FAE]  }
0x29: {  	s4 =	sld [smem:$0x3FB0]  }
0x2a: {  	p0 =	seq.s32 s5, $0x0;
	s5 =	sld [smem:$0x3FB1]  }
0x2b: {  	s6 =	sld [smem:$0x3FB2]  }
0x2c: {  	s7 =	sld [smem:$0x3FB3]  }
0x2d: {  	s3 =	simm.s32 $0x108;
	s8 =	sld [smem:$0x3FB4]  }
0x2e: {  	s3 =	simm.s32 @!p0 $0x1082;
	s9 =	sld [smem:$0x3FB5]  }
0x2f: {  	lr =	sadd.s32 s0, s3;
	s0 =	sld [smem:$0x3FAC]  }
0x30: {  	s3 =	sld [smem:$0x3FAF]  }
0x31: {  	[smem:$0x3FB8] =	sst s10  }
0x32: {  	s10 =	sld [smem:$0x3FB6];
	_ =	sdelay $0x3  }
0x33: {  	p0 =	seq.s32 s10, $0x1;
	s10 =	sld [smem:$0x3FB8];
	_ =	sdelay $0x3  }
0x34: {  	[smem:$0x3FB8] =	sst s10  }
0x35: {  	s10 =	sld [smem:$0x3FB7];
	_ =	sdelay $0x3  }
0x36: {  	p1 =	seq.s32 s10, $0x1;
	s10 =	sld [smem:$0x3FB8];
	_ =	sdelay $0x3  }
0x37: {  	[smem:$0x3FB8] =	sst s10  }
0x38: {  	s10 =	sld [smem:$0x3FB9]  }
0x39: {  	_ = 	snop;
	(pc) =	sbr.ind lr, $3  }
0x3a: {  	_ = 	snop  }
0x3b: {  	_ = 	snop  }
0x3c: {  	p2 =	seq.s32 s10, $0x1;
	s10 =	sld [smem:$0x3FB8]  }
0x3d: {  	_ =	shalt  }
0x3e: {  	_ =	shalt  }
0x3f: {  	_ =	shalt  }
0x40: {  	_ =	shalt  }
0x41: {  	_ =	shalt  }
0x42: {  	_ =	shalt  }
0x43: {  	_ =	shalt  }
0x44: {  	_ =	shalt  }
0x45: {  	_ =	shalt  }
0x46: {  	_ =	shalt  }
0x47: {  	_ =	shalt  }
0x48: {  	_ =	shalt  }
0x49: {  	_ =	shalt  }
0x4a: {  	_ =	shalt  }
0x4b: {  	_ =	shalt  }
0x4c: {  	_ =	shalt  }
0x4d: {  	_ =	shalt  }
0x4e: {  	_ =	shalt  }
0x4f: {  	_ =	shalt  }
0x50: {  	_ =	shalt  }
0x51: {  	_ =	shalt  }
0x52: {  	_ =	shalt  }
0x53: {  	_ =	shalt  }
0x54: {  	_ =	shalt  }
0x55: {  	_ =	shalt  }
0x56: {  	_ =	shalt  }
0x57: {  	_ =	shalt  }
0x58: {  	_ =	shalt  }
0x59: {  	_ =	shalt  }
0x5a: {  	_ =	shalt  }
0x5b: {  	_ =	shalt  }
0x5c: {  	_ =	shalt  }
0x5d: {  	_ =	shalt  }
0x5e: {  	_ =	shalt  }
0x5f: {  	_ =	shalt  }
0x60: {  	_ =	shalt  }
0x61: {  	_ =	shalt  }
0x62: {  	_ =	shalt  }
0x63: {  	_ =	shalt  }
0x64: {  	_ =	shalt  }
0x65: {  	_ =	shalt  }
0x66: {  	_ =	shalt  }
0x67: {  	_ =	shalt  }
0x68: {  	_ =	shalt  }
0x69: {  	_ =	shalt  }
0x6a: {  	_ =	shalt  }
0x6b: {  	_ =	shalt  }
0x6c: {  	_ =	shalt  }
0x6d: {  	_ =	shalt  }
0x6e: {  	_ =	shalt  }
0x6f: {  	_ =	shalt  }
0x70: {  	_ =	shalt  }
0x71: {  	_ =	shalt  }
0x72: {  	_ =	shalt  }
0x73: {  	_ =	shalt  }
0x74: {  	_ =	shalt  }
0x75: {  	_ =	shalt  }
0x76: {  	_ =	shalt  }
0x77: {  	_ =	shalt  }
0x78: {  	_ =	shalt  }
0x79: {  	_ =	shalt  }
0x7a: {  	_ =	shalt  }
0x7b: {  	_ =	shalt  }
0x7c: {  	_ =	shalt  }
0x7d: {  	_ =	shalt  }
0x7e: {  	_ =	shalt  }
0x7f: {  	_ =	shalt  }
0x80: {  	_ =	shalt  }
0x81: {  	_ =	shalt  }
0x82: {  	_ =	shalt  }
0x83: {  	_ =	shalt  }
0x84: {  	_ =	shalt  }
0x85: {  	_ =	shalt  }
0x86: {  	_ =	shalt  }
0x87: {  	_ =	shalt  }
.Lfunc_end0:
.L_simem_size_0:
called_computation_lowered:
.L_overlay_start_0:
0x88: {  	s2 =	sld [smem:$0x3FD9]  }
0x89: {  	s3 =	sld [smem:$0x3FFE];
	_ =	sdelay $0x1  }
0x8a: {  	s1 =	srdreg.scid  }
0x8b: {  	s0 =	sand.u32 $0x1, s1  }
0x8c: {  	s16 =	sshll.u32 s0, $0xA;
	s2 =	sadd.s32 s3, s2  }
0x8d: {  	s2 =	sadd.s32 s2, s16  }
0x8e: {  	[smem:$0x3FC4] =	sst s2  }
0x8f: {  	_ = 	snop  }
0x90: {  	(tm) =	ssettm $0x1  }
0x91: {  	s17 =	sld [smem:$0x3FFB];
	_ =	sdelay $0x3  }
0x92: {  	_ =	strace s17  }
0x93: {  	s2 =	sld [smem:$0x3FFC];
	_ =	sdelay $0x3  }
0x94: {  	_ =	strace s2  }
0x95: {  	s2 =	sld [smem:$0x3FFD];
	_ =	sdelay $0x3  }
0x96: {  	_ =	strace s2  }
0x97: {  	_ =	strace $0x8FFFFFFF  }
0x98: {  	s18 =	sld [smem:$0x3FDB];
	_ =	sdelay $0x1  }
0x99: {  	s19 =	simm.s32 $_scs_section_size  }
0x9a: {  	s4 =	simm.s32 $_size__tile_overlayer_lowered;
	s5 =	simm.s32 $_tile_overlayer_lowered  }
0x9b: {  	s22 =	simm.s32 $0x1BFF;
	s21 =	sshll.u32 s5, $0x1;
	s2 =	sadd.s32 s19, s18  }
0x9c: {  	s6 =	simm.s32 $0x0;
	s20 =	sshll.u32 s4, $0x1;
	s4 =	sadd.s32 s21, s2  }
0x9d: {  	[timem:s6], [sflag:s22] =	dma.local [hbm:s4], s20  }
0x9e: {  	_ =	swait.ge [sflag:s22], s20  }
0x9f: {  	s3 =	ssub.s32 $0x0, s20;
	[sflag:s22] =	ssyncset.done $0x0  }
0xa0: {  	[sflag:s22] =	ssyncadd.s32 s3;
	_ =	sdelay $0x1  }
0xa1: {  	s23 =	simm.s32 $0x1B8B  }
0xa2: {  	_ =	swait.ge [sflag:s23], $0x1  }
0xa3: {  	[sflag:s23] =	ssyncset.done $0x0  }
0xa4: {  	s25 =	simm.s32 $0x1B8E;
	s24 =	sld [smem:$0x3FFE];
	[sflag:s23] =	ssyncadd.s32 $0xFFFFFFFF  }
0xa5: {  	s26 =	simm.s32 $execute0_lowered;
	[smem:$0x3FD2] =	sst s25  }
0xa6: {  	s4 =	sshll.u32 s26, $0x1;
	_ =	strace $0x80000046;
	[dreg:$0x1] =	wrdreg $0xFFFFFFFF  }
0xa7: {  	s28 =	simm.s32 $_size_execute0_lowered;
	s2 =	sadd.s32 s2, s4;
	[dreg:$0x0] =	wrdreg $0x0  }
0xa8: {  	s4 =	sshll.u32 s28, $0x1;
	[dreg:$0x2] =	wrdreg s2  }
0xa9: {  	[dreg:$0x3] =	wrdreg s4  }
0xaa: {  	[dreg:$0x4] =	wrdreg $0xC0  }
0xab: {  	_ =	task [dreg:s6], $0x5FFFF  }
0xac: {  	[dreg:$0x1] =	wrdreg $0xFFFFFFFF  }
0xad: {  	[dreg:$0x0] =	wrdreg $0x60  }
0xae: {  	[dreg:$0x2] =	wrdreg s24  }
0xaf: {  	[dreg:$0x3] =	wrdreg $0x9  }
0xb0: {  	_ =	task.clear_ibuf [dreg:s6], $0x4FFFF;
	_ =	strace $0x90000046  }
0xb1: {  	s29 =	simm.s32 $0x9;
	_ =	strace $0x80000048  }
0xb2: {  	_ =	swait.ge [sflag:s29], $0x1  }
0xb3: {  	[sflag:s29] =	ssyncadd.s32 $0xFFFFFFFF  }
0xb4: {  	_ =	strace $0x90000048  }
0xb5: {  	_ =	sfence  }
0xb6: {  	s30 =	sld [smem:$0x0];
	_ =	sdelay $0x2  }
0xb7: {  	s31 =	sshll.u32 s1, $0xD;
	s1 =	sshrl.u32 s1, $0x2  }
0xb8: {  	s3 =	sand.u32 $0x4000, s31;
	s1 =	sadd.s32 s1, s30  }
0xb9: {  	s0 =	sor.u32 s3, s0;
	s1 =	sshll.u32 s1, $0x11  }
0xba: {  	s0 =	sor.u32 s1, s0  }
0xbb: {  	s0 =	sadd.s32 $0x8F2B, s0  }
0xbc: {  	[sflag:s0] =	ssyncadd.remote.s32 $0x1  }
0xbd: {  	_ =	sfence.sel $0xFFFF  }
0xbe: {  	[dreg:$0x0] =	wrdreg $0xFFFFFFFF;
	(pc) =	sbr.abs _section_cstart, $3  }
0xbf: {  	[dreg:$0x1] =	wrdreg $0xFFFFFFFF  }
0xc0: {  	_ =	task.clear_ibuf [dreg:s6], $0x2FFFF;
	_ =	strace $0x9FFFFFFF  }
0xc1: {  	(tm) =	ssettm $0x7FFFFFFF  }
tec
execute0_lowered:
.L_overlay_start_1:
0x0: {  	(tag) =	ssettag $0x1  }
0x1: {  	s3 =	rddreg [dreg:$0x0]  }
0x2: {  	s0 =	rddreg [dreg:$0x1];
	s2 =	simm.s32 $0x0;
	s4 =	srdreg.scid  }
0x3: {  	s1 =	stileid.u32;
	s9 =	simm.s32 $0x1;
	s10 =	simm.s32 $0x5580  }
0x4: {  	s11 =	simm.s32 $0x5600;
	s12 =	simm.s32 $0x0;
	[smem:$0x7FF] =	sst s2  }
0x5: {  	s4 =	sand.u32 $0x1, s4;
	s5 =	sshrl.u32 s1, $0x2;
	s6 =	sshll.u32 s1, $0x8  }
0x6: {  	s7 =	sshll.u32 s4, $0x7;
	s6 =	sand.u32 $0x300, s6;
	s8 =	smul.u32 $0x2AC00, s5  }
0x7: {  	_ =	strace $0x80000047;
	s5 =	sshll.u32 s5, $0xA;
	s4 =	ssub.s32 $0x2, s4  }
.Ltmp0:
0x8: {  	s6 =	sor.u32 s7, s6;
	s31 =	sshrl.u32 s4, $0x1;
	(pc) =	sbr.rel .LBB2_1-.Ltmp0, $4  }
0x9: {  	s5 =	sor.u32 s5, s6;
	s6 =	sor.u32 s8, s6;
	s7 =	ssub.s32 s4, s31  }
0xa: {  	s8 =	simm.s32 $0x400;
	s5 =	sshrl.u32 s5, $0x3;
	s6 =	sshrl.u32 s6, $0x3  }
0xb: {  	s5 =	sadd.s32 s5, s3;
	s3 =	sadd.s32 s3, s6;
	s6 =	smax.u32 s7, $0x1  }
0xc: {  	v0 =	vimm.s32 $0x0;
	s7 =	simm.s32 $0x80;
	s4 =	sadd.s32 $0x15600, s5;
	s5 =	sadd.s32 $0x15800, s5  }
.LBB2_10:
0xd: {  	s12 =	sadd.s32 $0x1, s12  }
0xe: {  	v1 =	vmov s17;
	p0 =	sne.s32 s12, s6  }
.Ltmp1:
0xf: {  	[tilespmem:$0x5600] =	vst v1;
	(pc) =	sbr.rel @!p0 .LBB2_11-.Ltmp1, $4  }
0x10: {  	[hbm4b:s5+s2] =	stream.linear.scatter [tilespmem:s11], [sflag:$0x1], $0x80, $0x38;
	[tilespmem:$0x5680] =	vst v63  }
0x11: {  	_ =	swait.ge [sflag:s9], $0x80  }
0x12: {  	[sflag:s9] =	ssyncset.done $0x0  }
0x13: {  	[sflag:s9] =	ssyncadd.s32 $0xFFFFFF80  }
.LBB2_1:
0x14: {  	[tilespmem:s2], [sflag:$0x1] =	stream.strided.gather [hbm4b:s3+s7], $0x5580, s8, s7, $0x38;
	[tilespmem:$0x5680] =	vst v63  }
0x15: {  	_ =	swait.ge [sflag:s9], $0x5580  }
0x16: {  	[sflag:s9] =	ssyncset.done $0x0  }
0x17: {  	[sflag:s9] =	ssyncadd.s32 $0xFFFFAA80  }
0x18: {  	[tilespmem:s10], [sflag:$0x1] =	stream.linear.gather [hbm4b:s4+s2], $0x80, $0x38;
	[tilespmem:$0x5680] =	vst v63  }
0x19: {  	_ =	swait.ge [sflag:s9], $0x80  }
0x1a: {  	[sflag:s9] =	ssyncset.done $0x0  }
0x1b: {  	s13 =	simm.s32 $0x0;
	[sflag:s9] =	ssyncadd.s32 $0xFFFFFF80  }
0x1c: {  	v1 =	vld [tilespmem:s13+$0x0];
	_ =	sdelay $0x2  }
0x1d: {  	v2 =	vld [tilespmem:s13+$0x30]  }
0x1e: {  	v3 =	vimm.f32 $0.0e+00;
	v4 =	vld [tilespmem:s13+$0x10]  }
0x1f: {  	v6 =	vadd.f32 v1, v3;
	v3 =	vld [tilespmem:s13+$0x20];
	_ =	sdelay $0x1  }
0x20: {  	vm1 =	vgt.f32 v1, $0.0e+00  }
0x21: {  	vm0 =	vgt.f32 v2, $0.0e+00;
	v5 =	vsel vm1, $0x1, v0  }
0x22: {  	s14 =	simm.s32 $0x40;
	v1 =	vld [tilespmem:$0x5580];
	s13 =	simm.s32 $0x200;
	vm1 =	vgt.f32 v4, $0.0e+00;
	v6 =	vadd.f32 v4, v6;
	v4 =	vimm.s32 $0x0  }
.LBB2_2:
0x23: {  	p0 =	sne.s32 s13, $0x15400;
	v7 =	vld [tilespmem:s14+$0x0];
	v4 =	vadd.s32 v5, v4;
	v5 =	vsel vm1, $0x1, v0;
	vm1 =	vgt.f32 v3, $0.0e+00  }
0x24: {  	v8 =	vld [tilespmem:s14+$0x30];
	v4 =	vadd.s32 v5, v4;
	v5 =	vadd.f32 v3, v6;
	v3 =	vsel vm1, $0x1, v0  }
0x25: {  	v6 =	vsel vm0, $0x1, v0;
	v9 =	vld [tilespmem:s14+$0x10];
	v4 =	vadd.s32 v3, v4  }
.Ltmp2:
0x26: {  	v3 =	vld [tilespmem:s14+$0x20];
	v5 =	vadd.f32 v2, v5;
	v4 =	vadd.s32 v6, v4;
	(pc) =	sbr.rel @p0 .LBB2_2-.Ltmp2, $4  }
0x27: {  	_ = 	snop  }
0x28: {  	v6 =	vadd.f32 v7, v5  }
0x29: {  	vm1 =	vgt.f32 v7, $0.0e+00;
	vm0 =	vgt.f32 v8, $0.0e+00;
	v2 =	vmov v8  }
0x2a: {  	s14 =	sshra.s32 s13, $0x2;
	s13 =	sadd.s32 $0x100, s13;
	v5 =	vsel vm1, $0x1, v0;
	v6 =	vadd.f32 v9, v6;
	vm1 =	vgt.f32 v9, $0.0e+00  }
0x2b: {  	v7 =	vld [tilespmem:s14+$0x0]  }
0x2c: {  	v6 =	vadd.f32 v3, v6  }
0x2d: {  	v8 =	vld [tilespmem:s14+$0x10]  }
0x2e: {  	v2 =	vadd.f32 v2, v6  }
0x2f: {  	v59 =	vld [tilespmem:s14+$0x20]  }
0x30: {  	v2 =	vadd.f32 v7, v2  }
0x31: {  	v9 =	vld [tilespmem:s14+$0x30]  }
0x32: {  	v2 =	vadd.f32 v8, v2;
	_ =	sdelay $0x1  }
0x33: {  	v4 =	vadd.s32 v5, v4;
	v2 =	vadd.f32 v59, v2  }
0x34: {  	v60 =	vsel vm1, $0x1, v0;
	vm11 =	vgt.f32 v3, $0.0e+00;
	v62 =	vsel vm0, $0x1, v0  }
0x35: {  	v3 =	vadd.s32 v60, v4;
	v61 =	vsel vm11, $0x1, v0;
	v2 =	vadd.f32 v9, v2  }
0x36: {  	v1 =	vxor.u32 $0x80000000, v1;
	v3 =	vadd.s32 v61, v3;
	vm12 =	vgt.f32 v7, $0.0e+00  }
0x37: {  	v3 =	vadd.s32 v62, v3;
	vm14 =	vgt.f32 v8, $0.0e+00;
	v63 =	vsel vm12, $0x1, v0;
	(xrf2) =	vadd.scan.msk.f32 $0xffff, v2  }
0x38: {  	vm15 =	vgt.f32 v59, $0.0e+00;
	v2 =	vadd.s32 v63, v3;
	v3 =	vsel vm14, $0x1, v0  }
0x39: {  	vm13 =	vgt.f32 v9, $0.0e+00;
	v2 =	vadd.s32 v3, v2;
	v3 =	vsel vm15, $0x1, v0  }
0x3a: {  	(xrf0) =	vmax.scan.msk.u32 $0xffff, v1;
	v2 =	vadd.s32 v3, v2;
	v3 =	vsel vm13, $0x1, v0  }
0x3b: {  	v1 =	vadd.s32 v3, v2  }
0x3c: {  	(xrf0) =	vadd.scan.msk.s32 $0xffff, v1;
	_ =	sdelay $0x3  }
0x3d: {  	v1, _, _ =	vpop (xrf0)  }
0x3e: {  	(v2sf) =	vpush v1, $0xF;
	v1, _, _ =	vpop (xrf2)  }
0x3f: {  	(v2sf) =	vpush v1, $0xF;
	v1, _, _ =	vpop (xrf0)  }
0x40: {  	(v2sf) =	vpush v1, $0xF;
	_ =	sdelay $0xc  }
0x41: {  	s13 =	spop (v2sf)  }
0x42: {  	s17 =	spop (v2sf)  }
0x43: {  	s13 =	sxor.u32 $0x80000000, s13;
	s31 =	spop (v2sf)  }
0x44: {  	p0 =	sge.s32 s13, s31  }
.Ltmp3:
0x45: {  	_ = 	snop;
	(pc) =	sbr.rel @p0 .LBB2_10-.Ltmp3, $2  }
0x46: {  	_ =	sdelay $0x2  }
0x47: {  	s16 =	simm.s32 $0x0;
	s14 =	simm.s32 $0x7F800000;
	s15 =	simm.s32 $0x0  }
.LBB2_4:
0x48: {  	s17 =	ssub.s32 s14, s16  }
0x49: {  	s18 =	sadd.s32 $0x1, s17;
	p0 =	slt.u32 s17, $0x7FFFFFFF;
	s17 =	simm.s32 $0x1  }
0x4a: {  	s17 =	simm.s32 @!p0 $0x0;
	s19 =	sshra.s32 s18, $0x1F  }
0x4b: {  	s29 =	sand.u32 $0x1, s18;
	s17 =	sadd.s32 s17, s19  }
0x4c: {  	s20 =	sshrl.u32 s18, $0x1F;
	p1 =	seq.s32 s29, $0x1;
	p6 =	sne.s32 s17, $0x1  }
0x4d: {  	s30 =	sadd.s32 s20, s18;
	p0 =	por !p6, !p1  }
0x4e: {  	s18 =	simm.s32 $0x1;
	s17 =	sshra.s32 s30, $0x1;
	p0 =	por !p0, !p0  }
0x4f: {  	s31 =	simm.s32 $0x0;
	s17 =	sadd.s32 s16, s17;
	s18 =	simm.s32 @!p0 $0x0  }
0x50: {  	v3 =	vld [tilespmem:s31+$0x0];
	s17 =	ssub.s32 s17, s18  }
0x51: {  	v1 =	vimm.s32 $0x0;
	s18 =	simm.s32 $0x40;
	v2 =	vmov s17  }
.LBB2_5:
0x52: {  	p0 =	sne.s32 s18, $0x154C0  }
.Ltmp4:
0x53: {  	_ = 	snop;
	(pc) =	sbr.rel @p0 .LBB2_5-.Ltmp4, $4  }
0x54: {  	_ = 	snop  }
0x55: {  	s19 =	sshra.s32 s18, $0x2;
	s18 =	sadd.s32 $0x40, s18;
	vm0 =	vge.s32 v3, v2  }
0x56: {  	v3 =	vld [tilespmem:s19+$0x0];
	v4 =	vsel vm0, $0x1, v0  }
0x57: {  	v1 =	vadd.s32 v4, v1  }
0x58: {  	_ =	sdelay $0x2  }
0x59: {  	vm0 =	vge.s32 v3, v2  }
0x5a: {  	v2 =	vsel vm0, $0x1, v0  }
0x5b: {  	v1 =	vadd.s32 v2, v1  }
0x5c: {  	(xrf0) =	vadd.scan.msk.s32 $0xffff, v1;
	_ =	sdelay $0x5  }
0x5d: {  	v1, _, _ =	vpop (xrf0)  }
0x5e: {  	(v2sf) =	vpush v1, $0xF;
	_ =	sdelay $0xb  }
0x5f: {  	s15 =	sadd.s32 $0x1, s15  }
0x60: {  	p1 =	sne.s32 s15, $0x1F  }
.Ltmp5:
0x61: {  	_ = 	snop;
	(pc) =	sbr.rel @p1 .LBB2_4-.Ltmp5, $4  }
0x62: {  	s18 =	spop (v2sf)  }
0x63: {  	p0 =	slt.s32 s18, s13  }
0x64: {  	s18 =	sadd.s32 $0xFFFFFFFF, s17;
	s17 =	smov.u32 @p0 s16  }
0x65: {  	s14 =	smov.u32 @p0 s18;
	s16 =	smov.u32 s17  }
0x66: {  	s15 =	simm.s32 $0x0  }
0x67: {  	v4 =	vld [tilespmem:s15+$0x0]  }
0x68: {  	v1 =	vmov s17;
	v3 =	vimm.f32 $0.0e+00;
	v2 =	vimm.s32 $0x0;
	s14 =	simm.s32 $0x40  }
.LBB2_8:
0x69: {  	p0 =	sne.s32 s14, $0x154C0  }
.Ltmp6:
0x6a: {  	_ = 	snop;
	(pc) =	sbr.rel @p0 .LBB2_8-.Ltmp6, $4  }
0x6b: {  	_ = 	snop  }
0x6c: {  	s15 =	sshra.s32 s14, $0x2;
	s14 =	sadd.s32 $0x40, s14;
	vm0 =	vlt.s32 v1, v4  }
0x6d: {  	v5 =	vnsel vm0, $0x0, v4;
	v4 =	vld [tilespmem:s15+$0x0];
	v6 =	vsel vm0, $0x1, v0  }
0x6e: {  	v3 =	vadd.f32 v5, v3;
	v2 =	vadd.s32 v6, v2  }
0x6f: {  	_ =	sdelay $0x2  }
0x70: {  	vm0 =	vlt.s32 v1, v4  }
0x71: {  	v4 =	vnsel vm0, $0x0, v4  }
0x72: {  	v3 =	vadd.f32 v4, v3;
	_ =	sdelay $0x1  }
0x73: {  	(xrf2) =	vadd.scan.msk.f32 $0xffff, v3;
	_ =	sdelay $0x2  }
0x74: {  	(xrf0) =	vmax.scan.msk.f32 $0xffff, v1;
	v3 =	vsel vm0, $0x1, v0  }
0x75: {  	v1 =	vadd.s32 v3, v2  }
0x76: {  	(xrf0) =	vadd.scan.msk.s32 $0xffff, v1;
	_ =	sdelay $0x3  }
0x77: {  	v1, _, _ =	vpop (xrf0)  }
0x78: {  	(v2sf) =	vpush v1, $0xF;
	v1, _, _ =	vpop (xrf2)  }
0x79: {  	(v2sf) =	vpush v1, $0xF;
	v1, _, _ =	vpop (xrf0)  }
0x7a: {  	(v2sf) =	vpush v1, $0xF;
	_ =	sdelay $0xc  }
0x7b: {  	s14 =	spop (v2sf)  }
0x7c: {  	s15 =	spop (v2sf)  }
0x7d: {  	s16 =	spop (v2sf)  }
0x7e: {  	s13 =	ssub.s32 s13, s16  }
.Ltmp7:
0x7f: {  	s13 =	scvt.s32.f32 s13;
	(pc) =	sbr.rel .LBB2_10-.Ltmp7, $3  }
0x80: {  	_ = 	snop  }
0x81: {  	s13 =	smul.f32 s13, s14;
	_ =	sdelay $0x1  }
0x82: {  	s17 =	sadd.f32 s13, s15  }
.LBB2_11:
0x83: {  	_ =	sfence.sel $0x180000  }
0x84: {  	[bflag:$0x0] =	sbarrier.arrive $0xFFFF  }
0x85: {  	p0 =	sne.s32 s1, $0x0;
	_ =	strace $0x90000047  }
0x86: {  	s0 =	sadd.s32 @!p0 $0x100000, s0;
	[bflag:$0x2] =	sbarrier.arrive $0xFFFF  }
0x87: {  	[sflag:s0] =	ssyncadd.tile.s32 @!p0 $0x1;
	_ =	shalt  }
.Lfunc_end2:
_tile_overlayer_lowered:
.L_overlay_start_2:
0x88: {  	(tag) =	ssettag $0x2  }
0x89: {  	s0 =	rddreg [dreg:$0x0];
	s2 =	stileid.u32  }
0x8a: {  	s1 =	rddreg [dreg:$0x1];
	p0 =	sne.s32 s2, $0x0  }
0x8b: {  	s3 =	rddreg [dreg:$0x2];
	[bflag:$0x3] =	sbarrier.arrive $0xFFFF;
	s2 =	simm.s32 @!p0 $0x1C01  }
0x8c: {  	[timem:s3], [sflag:s2] =	dma.local @!p0 [hbm:s0], s1  }
0x8d: {  	s0 =	simm.s32 @!p0 $0x1  }
0x8e: {  	_ =	swait.ge @!p0 [sflag:s0], s1  }
0x8f: {  	s1 =	ssub.s32 @!p0 $0x0, s1;
	[sflag:s0] =	ssyncset.done @!p0 $0x0  }
0x90: {  	[sflag:s0] =	ssyncadd.s32 @!p0 s1  }
0x91: {  	[bflag:$0x3] =	sbarrier.arrive $0xFFFF  }
0x92: {  	_ =	shalt  }

</sc_bundles>
